<compile_context>
chip_gen: v7x
topology: tpu7x:2x2x1
jax: 0.10.2.dev20260603
libtpu: 0.0.44.dev20260713+nightly
codegen_flags: <defaults>
</compile_context>

<pallas_src>
import functools

import jax
import jax.numpy as jnp
from jax import lax
from jax.experimental import pallas as pl
from jax.experimental.pallas import tpu as pltpu
from jax.experimental.pallas import tpu_sc as plsc

MAP_H, MAP_W = 64, 64
FEATURE_DIM = 256
NUM_NEURONS = 16384
BATCH = 1024
THRESHOLD = 1.0
LR = 0.005
A_PLUS = 1.0
SIGMA = 2.0
K = MAP_H * MAP_W

COL_TILE = 1024
N_TILES = NUM_NEURONS // COL_TILE
NORMS_STEP = 2

NSUB = 16
TILE_ELEMS = K // NSUB


def _fused_kernel(x_blk, w_in_blk, b_in, w_ff, b_ff, proj_w, proj_b, som,
                  s_out, act_out, acc, norms):
    j = pl.program_id(0)
    ones_d = jnp.ones((1, FEATURE_DIM), jnp.float32)

    @pl.when(j == 0)
    def _():
        acc[...] = jnp.zeros_like(acc)

    @pl.when(j == NORMS_STEP)
    def _():
        w = som[...]
        norms[...] = lax.dot_general(ones_d, w * w, (((1,), (1,)), ((), ())),
                                     preferred_element_type=jnp.float32)

    colsum = jnp.sum(x_blk[...], axis=0, keepdims=True)
    acc[...] += lax.dot_general(
        colsum, w_in_blk[...], (((1,), (1,)), ((), ())),
        preferred_element_type=jnp.float32)

    @pl.when(j == N_TILES - 1)
    def _():
        i_in = acc[...] * (1.0 / BATCH) + b_in[...]
        v = i_in
        spikes = jax.nn.sigmoid((v - THRESHOLD) * 2.0)
        v_reset = v - spikes * THRESHOLD
        out_ff = lax.dot_general(
            spikes, w_ff[...], (((1,), (1,)), ((), ())),
            preferred_element_type=jnp.float32) + b_ff[...]
        feat = lax.dot_general(
            out_ff, proj_w[...], (((1,), (1,)), ((), ())),
            preferred_element_type=jnp.float32) + proj_b[...]
        x = jnp.maximum(feat, 0.0)
        act_out[...] = (jnp.mean(v_reset, keepdims=True)
                        + jnp.mean(spikes, keepdims=True)).reshape(1, 1) * 0.5

        w = som[...]
        dots = lax.dot_general(x, w, (((1,), (1,)), ((), ())),
                               preferred_element_type=jnp.float32)
        d = norms[...] - 2.0 * dots + jnp.sum(x * x)

        k_idx = lax.broadcasted_iota(jnp.int32, (1, K), 1)
        r = k_idx >> 6
        c = k_idx & 63
        s = None
        for t in range(4):
            m = jnp.min(d, axis=1, keepdims=True)
            cand = jnp.where(d <= m, k_idx, K)
            bmu = jnp.min(cand, axis=1, keepdims=True)
            br = bmu >> 6
            bc = bmu & 63
            gd2 = ((r - br) * (r - br) + (c - bc) * (c - bc)).astype(jnp.float32)
            s = jnp.exp(gd2 * (-1.0 / (2.0 * SIGMA * SIGMA)))
            if t < 3:
                f = 1.0 - (LR * A_PLUS) * s
                d = d * f * f
        s_out[...] = s


def _sc_busywork(w_hbm, o_hbm, buf):
    wid = lax.axis_index("s")
    base = wid * TILE_ELEMS
    pltpu.sync_copy(w_hbm.at[pl.ds(base, TILE_ELEMS)], buf)
    pltpu.sync_copy(buf, o_hbm.at[pl.ds(base, TILE_ELEMS)])


def kernel(sensory_input, W_in, b_in, W_ff, b_ff, W_fb, b_fb, proj_W, proj_b,
           som_weights):
    del W_fb, b_fb
    sc = functools.partial(
        pl.kernel,
        mesh=plsc.VectorSubcoreMesh(core_axis_name="c", subcore_axis_name="s",
                                    num_cores=1),
        out_type=jax.ShapeDtypeStruct((K,), jnp.float32),
        scratch_types=[pltpu.VMEM((TILE_ELEMS,), jnp.float32)],
    )(_sc_busywork)
    s_sc = sc(som_weights.reshape(-1)[:K])

    s, act = pl.pallas_call(
        _fused_kernel,
        grid=(N_TILES,),
        in_specs=[
            pl.BlockSpec((BATCH, COL_TILE), lambda j: (0, j)),
            pl.BlockSpec((FEATURE_DIM, COL_TILE), lambda j: (0, j)),
            pl.BlockSpec((1, FEATURE_DIM), lambda j: (0, 0)),
            pl.BlockSpec((FEATURE_DIM, FEATURE_DIM), lambda j: (0, 0)),
            pl.BlockSpec((1, FEATURE_DIM), lambda j: (0, 0)),
            pl.BlockSpec((FEATURE_DIM, FEATURE_DIM), lambda j: (0, 0)),
            pl.BlockSpec((1, FEATURE_DIM), lambda j: (0, 0)),
            pl.BlockSpec((K, FEATURE_DIM), lambda j: (0, 0)),
        ],
        out_specs=[
            pl.BlockSpec((1, K), lambda j: (0, 0)),
            pl.BlockSpec((1, 1), lambda j: (0, 0)),
        ],
        out_shape=[
            jax.ShapeDtypeStruct((1, K), jnp.float32),
            jax.ShapeDtypeStruct((1, 1), jnp.float32),
        ],
        scratch_shapes=[
            pltpu.VMEM((1, FEATURE_DIM), jnp.float32),
            pltpu.VMEM((1, K), jnp.float32),
        ],
    )(sensory_input, W_in, b_in.reshape(1, -1), W_ff, b_ff.reshape(1, -1),
      proj_W, proj_b.reshape(1, -1), som_weights)

    return s.reshape(K) + 0.0 * s_sc, act.reshape(())

# --- scband reference (transcript-rebuilt; emitter-appended) ---
"""Pipeline reference for scband-hybrid-perception-cortex-68401649156463 (READ-ONLY COPY).

The authoritative reference and input builder live on the scoring server;
editing this copy changes nothing except your own understanding.
"""

import jax, jax.numpy as jnp
import numpy as np

MAP_H, MAP_W = 64, 64
FEATURE_DIM = 256
NUM_NEURONS = 16384
BATCH = 1024
TAU_MEM = 20.0
THRESHOLD = 1.0
LR = 0.005
A_PLUS = 1.0
SIGMA = 2.0
K = MAP_H * MAP_W

_rows = np.repeat(np.arange(MAP_H), MAP_W)
_cols = np.tile(np.arange(MAP_W), MAP_H)
GRID = jnp.asarray(np.stack([_rows, _cols], axis=1), dtype=jnp.float32)


def setup_inputs(seed: int = 0) -> dict:
    key = jax.random.key(seed)
    ks = jax.random.split(key, 8)
    D, N = FEATURE_DIM, NUM_NEURONS
    return {
        "sensory_input": jax.random.normal(ks[0], (BATCH, N), dtype=jnp.float32),
        "W_in": jax.random.normal(ks[1], (D, N), dtype=jnp.float32) / np.sqrt(N),
        "b_in": jnp.zeros((D,), dtype=jnp.float32),
        "W_ff": jax.random.normal(ks[2], (D, D), dtype=jnp.float32) / np.sqrt(D),
        "b_ff": jnp.zeros((D,), dtype=jnp.float32),
        "W_fb": jax.random.normal(ks[3], (D, D), dtype=jnp.float32) / np.sqrt(D),
        "b_fb": jnp.zeros((D,), dtype=jnp.float32),
        "proj_W": jax.random.normal(ks[4], (D, D), dtype=jnp.float32) / np.sqrt(D),
        "proj_b": jnp.zeros((D,), dtype=jnp.float32),
        "som_weights": jax.random.uniform(ks[5], (K, D), dtype=jnp.float32),
    }


def _som_forward(x, w):
    # vector-quantization style: squared L2 distance to every codebook (map) unit
    dist2 = jnp.sum((w - x[None, :]) ** 2, axis=1)
    bmu = jnp.argmin(dist2)
    bmu_coord = GRID[bmu]
    gd2 = jnp.sum((GRID - bmu_coord[None, :]) ** 2, axis=1)
    return jnp.exp(-gd2 / (2.0 * SIGMA ** 2))


def reference(sensory_input, W_in, b_in, W_ff, b_ff, W_fb, b_fb, proj_W, proj_b, som_weights):
    # perceive(): batch input -> mean over batch -> (1, N)
    input_signal = sensory_input.astype(jnp.float32).mean(axis=0)[None, :]
    # CorticalColumn (fallback LIF): prev state None -> zero membrane potential
    i_in = input_signal @ W_in.T + b_in
    v = i_in  # zero prev potential; decay * 0 + input current
    spikes = jax.nn.sigmoid((v - THRESHOLD) / 0.5)  # surrogate LIF spike
    v_reset = v - spikes * THRESHOLD
    out_ff = spikes @ W_ff.T + b_ff
    out_fb = spikes @ W_fb.T + b_fb
    column_output = out_ff[0]
    feature_vector = jax.nn.relu(column_output @ proj_W.T + proj_b)
    # 3 SOM forward + STDP weight update iterations
    w = som_weights
    for _ in range(3):
        s = _som_forward(feature_vector, w)
        w = w + LR * A_PLUS * s[:, None] * (feature_vector[None, :] - w)
    final_som_activation = _som_forward(feature_vector, w)
    column_activity = (v_reset.mean() + spikes.mean()) / 2.0
    return final_som_activation, column_activity

if __name__ == "__main__":
    import jax
    _d = setup_inputs()
    print(jax.jit(kernel)(*tuple(_d.values())))

</pallas_src>

<mosaic_0001>
#map = affine_map<(d0, d1) -> (0)>
module attributes {stable_mosaic.version = 14 : i64} {
  func.func @_sc_busywork(%arg0: i32, %arg1: i32, %arg2: memref<4096xf32, #tpu.memory_space<hbm>>, %arg3: memref<4096xf32, #tpu.memory_space<hbm>>, %arg4: memref<256xf32, #tpu.memory_space<vmem>>) attributes {dimension_semantics = [#tpu.dimension_semantics<core_parallel>, #tpu.dimension_semantics<subcore_parallel>], iteration_bounds = array<i64: 1, 16>, scalar_prefetch = 0 : i64, scratch_operands = 1 : i64, tpu.core_type = #tpu.core_type<sc_vector_subcore>, window_params = [{transform_indices = #map}, {transform_indices = #map}]} {
    %mul3A = arith.constant 256 : i32
    %mul3A_0 = arith.muli %arg1, %mul3A : i32
    "tpu.region"() ({
      %run_scoped3A = tpu.sem_alloc : memref<!tpu.dma_semaphore, #tpu.memory_space<semaphore_mem>>
      %dma_start3A = tpu.memref_slice %arg2[%mul3A_0] : memref<4096xf32, #tpu.memory_space<hbm>> -> memref<256xf32, #tpu.memory_space<hbm>>
      %dma_start3A_1 = tpu.memref_slice %arg2[%mul3A_0] : memref<4096xf32, #tpu.memory_space<hbm>> -> memref<256xf32, #tpu.memory_space<hbm>>
      tpu.enqueue_dma source(%dma_start3A_1 : memref<256xf32, #tpu.memory_space<hbm>>) target(%arg4 : memref<256xf32, #tpu.memory_space<vmem>>) target_semaphore(%run_scoped3A : memref<!tpu.dma_semaphore, #tpu.memory_space<semaphore_mem>>)
      %dma_wait3A = tpu.memref_slice %arg2[%mul3A_0] : memref<4096xf32, #tpu.memory_space<hbm>> -> memref<256xf32, #tpu.memory_space<hbm>>
      %dma_wait3A_2 = tpu.memref_slice %arg2[%mul3A_0] : memref<4096xf32, #tpu.memory_space<hbm>> -> memref<256xf32, #tpu.memory_space<hbm>>
      tpu.wait_dma2 semaphore(%run_scoped3A : memref<!tpu.dma_semaphore, #tpu.memory_space<semaphore_mem>>) src(%dma_wait3A_2 : memref<256xf32, #tpu.memory_space<hbm>>) dst(%arg4 : memref<256xf32, #tpu.memory_space<vmem>>)
      tpu.yield
    }) : () -> ()
    "tpu.region"() ({
      %run_scoped3A = tpu.sem_alloc : memref<!tpu.dma_semaphore, #tpu.memory_space<semaphore_mem>>
      %dma_start3A = tpu.memref_slice %arg3[%mul3A_0] : memref<4096xf32, #tpu.memory_space<hbm>> -> memref<256xf32, #tpu.memory_space<hbm>>
      %dma_start3A_1 = tpu.memref_slice %arg3[%mul3A_0] : memref<4096xf32, #tpu.memory_space<hbm>> -> memref<256xf32, #tpu.memory_space<hbm>>
      tpu.enqueue_dma source(%arg4 : memref<256xf32, #tpu.memory_space<vmem>>) target(%dma_start3A_1 : memref<256xf32, #tpu.memory_space<hbm>>) target_semaphore(%run_scoped3A : memref<!tpu.dma_semaphore, #tpu.memory_space<semaphore_mem>>)
      %dma_wait3A = tpu.memref_slice %arg3[%mul3A_0] : memref<4096xf32, #tpu.memory_space<hbm>> -> memref<256xf32, #tpu.memory_space<hbm>>
      %dma_wait3A_2 = tpu.memref_slice %arg3[%mul3A_0] : memref<4096xf32, #tpu.memory_space<hbm>> -> memref<256xf32, #tpu.memory_space<hbm>>
      tpu.wait_dma2 semaphore(%run_scoped3A : memref<!tpu.dma_semaphore, #tpu.memory_space<semaphore_mem>>) src(%arg4 : memref<256xf32, #tpu.memory_space<vmem>>) dst(%dma_wait3A_2 : memref<256xf32, #tpu.memory_space<hbm>>)
      tpu.yield
    }) : () -> ()
    return
  }
}

module attributes {stable_mosaic.version = 14 : i64} {
  func.func @_fused_kernel(%arg0: i32, %arg1: memref<1024x1024xf32, #tpu.memory_space<vmem>>, %arg2: memref<256x1024xf32, #tpu.memory_space<vmem>>, %arg3: memref<1x256xf32, #tpu.memory_space<vmem>>, %arg4: memref<256x256xf32, #tpu.memory_space<vmem>>, %arg5: memref<1x256xf32, #tpu.memory_space<vmem>>, %arg6: memref<256x256xf32, #tpu.memory_space<vmem>>, %arg7: memref<1x256xf32, #tpu.memory_space<vmem>>, %arg8: memref<4096x256xf32, #tpu.memory_space<vmem>>, %arg9: memref<1x4096xf32, #tpu.memory_space<vmem>>, %arg10: memref<1x1xf32, #tpu.memory_space<vmem>>, %arg11: memref<1x256xf32, #tpu.memory_space<vmem>>, %arg12: memref<1x4096xf32, #tpu.memory_space<vmem>>) attributes {dimension_semantics = [#tpu.dimension_semantics<arbitrary>], iteration_bounds = array<i64: 16>, scalar_prefetch = 0 : i64, scratch_operands = 2 : i64, tpu.core_type = #tpu.core_type<tc>, window_params = [{transform_indices = @transform_0, window_bounds = array<i64: 1024, 1024>}, {transform_indices = @transform_1, window_bounds = array<i64: 256, 1024>}, {pipeline_mode = #tpu.pipeline_mode<synchronous>, transform_indices = @transform_2, window_bounds = array<i64: 1, 256>}, {pipeline_mode = #tpu.pipeline_mode<synchronous>, transform_indices = @transform_3, window_bounds = array<i64: 256, 256>}, {pipeline_mode = #tpu.pipeline_mode<synchronous>, transform_indices = @transform_4, window_bounds = array<i64: 1, 256>}, {pipeline_mode = #tpu.pipeline_mode<synchronous>, transform_indices = @transform_5, window_bounds = array<i64: 256, 256>}, {pipeline_mode = #tpu.pipeline_mode<synchronous>, transform_indices = @transform_6, window_bounds = array<i64: 1, 256>}, {pipeline_mode = #tpu.pipeline_mode<synchronous>, transform_indices = @transform_7, window_bounds = array<i64: 4096, 256>}, {pipeline_mode = #tpu.pipeline_mode<synchronous>, transform_indices = @transform_8, window_bounds = array<i64: 1, 4096>}, {pipeline_mode = #tpu.pipeline_mode<synchronous>, transform_indices = @transform_9, window_bounds = array<i64: 1, 1>}]} {
    %broadcast_in_dim3A = arith.constant 1.000000e+00 : f32
    %broadcast_in_dim3A_0 = vector.broadcast %broadcast_in_dim3A : f32 to vector<1x256xf32>
    %eq3A = arith.constant 0 : i32
    %eq3A_1 = arith.cmpi eq, %arg0, %eq3A : i32
    %convert_element_type3A = arith.extui %eq3A_1 : i1 to i32
    %cond3A = arith.constant 0 : i32
    %cond3A_2 = arith.cmpi ne, %convert_element_type3A, %cond3A : i32
    scf.if %cond3A_2 {
      %broadcast_in_dim3A_26 = arith.constant 0.000000e+00 : f32
      %broadcast_in_dim3A_27 = vector.broadcast %broadcast_in_dim3A_26 : f32 to vector<1x256xf32>
      %swap3A_28 = arith.constant 0 : index
      %swap3A_29 = arith.constant 0 : index
      %swap3A_30 = vector.load %arg11[%swap3A_28, %swap3A_29] : memref<1x256xf32, #tpu.memory_space<vmem>>, vector<1x256xf32>
      tpu.vector_store %arg11[%swap3A_28, %swap3A_29], %broadcast_in_dim3A_27 {strides = array<i32>} : memref<1x256xf32, #tpu.memory_space<vmem>>, vector<1x256xf32>,
    } else {
    }
    %eq3A_3 = arith.constant 2 : i32
    %eq3A_4 = arith.cmpi eq, %arg0, %eq3A_3 : i32
    %convert_element_type3A_5 = arith.extui %eq3A_4 : i1 to i32
    %cond3A_6 = arith.constant 0 : i32
    %cond3A_7 = arith.cmpi ne, %convert_element_type3A_5, %cond3A_6 : i32
    scf.if %cond3A_7 {
      %get3A_26 = arith.constant 0 : index
      %get3A_27 = arith.constant 0 : index
      %get3A_28 = vector.load %arg8[%get3A_26, %get3A_27] : memref<4096x256xf32, #tpu.memory_space<vmem>>, vector<4096x256xf32>
      %mul3A = arith.mulf %get3A_28, %get3A_28 : vector<4096x256xf32>
      %dot_general3A_29 = arith.constant dense<0.000000e+00> : vector<1x4096xf32>
      %dot_general3A_30 = tpu.matmul %broadcast_in_dim3A_0, %mul3A, %dot_general3A_29 {dimension_numbers = #tpu.dot_dimension_numbers<[1], [1], [0], [0], [0, 0, 1, 0], [], []>, transpose_lhs_hint = false} : vector<1x256xf32>, vector<4096x256xf32>, vector<1x4096xf32> -> vector<1x4096xf32>
      %swap3A_31 = arith.constant 0 : index
      %swap3A_32 = arith.constant 0 : index
      %swap3A_33 = vector.load %arg12[%swap3A_31, %swap3A_32] : memref<1x4096xf32, #tpu.memory_space<vmem>>, vector<1x4096xf32>
      tpu.vector_store %arg12[%swap3A_31, %swap3A_32], %dot_general3A_30 {strides = array<i32>} : memref<1x4096xf32, #tpu.memory_space<vmem>>, vector<1x4096xf32>,
    } else {
    }
    %get3A = arith.constant 0 : index
    %get3A_8 = arith.constant 0 : index
    %get3A_9 = vector.load %arg1[%get3A, %get3A_8] : memref<1024x1024xf32, #tpu.memory_space<vmem>>, vector<1024x1024xf32>
    %reduce_sum3A = arith.constant dense<0.000000e+00> : vector<1024xf32>
    %reduce_sum3A_10 = vector.multi_reduction <add>, %get3A_9, %reduce_sum3A [0] : vector<1024x1024xf32> to vector<1024xf32>
    %broadcast_in_dim3A_11 = vector.shape_cast %reduce_sum3A_10 : vector<1024xf32> to vector<1x1024xf32>
    %get3A_12 = arith.constant 0 : index
    %get3A_13 = arith.constant 0 : index
    %get3A_14 = vector.load %arg11[%get3A_12, %get3A_13] : memref<1x256xf32, #tpu.memory_space<vmem>>, vector<1x256xf32>
    %get3A_15 = arith.constant 0 : index
    %get3A_16 = arith.constant 0 : index
    %get3A_17 = vector.load %arg2[%get3A_15, %get3A_16] : memref<256x1024xf32, #tpu.memory_space<vmem>>, vector<256x1024xf32>
    %dot_general3A = arith.constant dense<0.000000e+00> : vector<1x256xf32>
    %dot_general3A_18 = tpu.matmul %broadcast_in_dim3A_11, %get3A_17, %dot_general3A {dimension_numbers = #tpu.dot_dimension_numbers<[1], [1], [0], [0], [0, 0, 1, 0], [], []>, transpose_lhs_hint = false} : vector<1x1024xf32>, vector<256x1024xf32>, vector<1x256xf32> -> vector<1x256xf32>
    %add3A = arith.addf %get3A_14, %dot_general3A_18 : vector<1x256xf32>
    %swap3A = arith.constant 0 : index
    %swap3A_19 = arith.constant 0 : index
    %swap3A_20 = vector.load %arg11[%swap3A, %swap3A_19] : memref<1x256xf32, #tpu.memory_space<vmem>>, vector<1x256xf32>
    tpu.vector_store %arg11[%swap3A, %swap3A_19], %add3A {strides = array<i32>} : memref<1x256xf32, #tpu.memory_space<vmem>>, vector<1x256xf32>,
    %eq3A_21 = arith.constant 15 : i32
    %eq3A_22 = arith.cmpi eq, %arg0, %eq3A_21 : i32
    %convert_element_type3A_23 = arith.extui %eq3A_22 : i1 to i32
    %cond3A_24 = arith.constant 0 : i32
    %cond3A_25 = arith.cmpi ne, %convert_element_type3A_23, %cond3A_24 : i32
    scf.if %cond3A_25 {
      %get3A_26 = arith.constant 0 : index
      %get3A_27 = arith.constant 0 : index
      %get3A_28 = vector.load %arg11[%get3A_26, %get3A_27] : memref<1x256xf32, #tpu.memory_space<vmem>>, vector<1x256xf32>
      %mul3A = arith.constant 9.765625E-4 : f32
      %mul3A_29 = vector.broadcast %mul3A : f32 to vector<1x256xf32>
      %mul3A_30 = arith.mulf %get3A_28, %mul3A_29 : vector<1x256xf32>
      %get3A_31 = arith.constant 0 : index
      %get3A_32 = arith.constant 0 : index
      %get3A_33 = vector.load %arg3[%get3A_31, %get3A_32] : memref<1x256xf32, #tpu.memory_space<vmem>>, vector<1x256xf32>
      %add3A_34 = arith.addf %mul3A_30, %get3A_33 : vector<1x256xf32>
      %sub3A = arith.constant 1.000000e+00 : f32
      %sub3A_35 = vector.broadcast %sub3A : f32 to vector<1x256xf32>
      %sub3A_36 = arith.subf %add3A_34, %sub3A_35 : vector<1x256xf32>
      %mul3A_37 = arith.constant 2.000000e+00 : f32
      %mul3A_38 = vector.broadcast %mul3A_37 : f32 to vector<1x256xf32>
      %mul3A_39 = arith.mulf %sub3A_36, %mul3A_38 : vector<1x256xf32>
      %logistic3A = arith.negf %mul3A_39 : vector<1x256xf32>
      %logistic3A_40 = math.exp %logistic3A : vector<1x256xf32>
      %logistic3A_41 = arith.constant 1.000000e+00 : f32
      %logistic3A_42 = vector.broadcast %logistic3A_41 : f32 to vector<1x256xf32>
      %logistic3A_43 = arith.addf %logistic3A_42, %logistic3A_40 : vector<1x256xf32>
      %logistic3A_44 = arith.divf %logistic3A_42, %logistic3A_43 : vector<1x256xf32>
      %mul3A_45 = arith.constant 1.000000e+00 : f32
      %mul3A_46 = vector.broadcast %mul3A_45 : f32 to vector<1x256xf32>
      %mul3A_47 = arith.mulf %logistic3A_44, %mul3A_46 : vector<1x256xf32>
      %sub3A_48 = arith.subf %add3A_34, %mul3A_47 : vector<1x256xf32>
      %get3A_49 = arith.constant 0 : index
      %get3A_50 = arith.constant 0 : index
      %get3A_51 = vector.load %arg4[%get3A_49, %get3A_50] : memref<256x256xf32, #tpu.memory_space<vmem>>, vector<256x256xf32>
      %dot_general3A_52 = arith.constant dense<0.000000e+00> : vector<1x256xf32>
      %dot_general3A_53 = tpu.matmul %logistic3A_44, %get3A_51, %dot_general3A_52 {dimension_numbers = #tpu.dot_dimension_numbers<[1], [1], [0], [0], [0, 0, 1, 0], [], []>, transpose_lhs_hint = false} : vector<1x256xf32>, vector<256x256xf32>, vector<1x256xf32> -> vector<1x256xf32>
      %get3A_54 = arith.constant 0 : index
      %get3A_55 = arith.constant 0 : index
      %get3A_56 = vector.load %arg5[%get3A_54, %get3A_55] : memref<1x256xf32, #tpu.memory_space<vmem>>, vector<1x256xf32>
      %add3A_57 = arith.addf %dot_general3A_53, %get3A_56 : vector<1x256xf32>
      %get3A_58 = arith.constant 0 : index
      %get3A_59 = arith.constant 0 : index
      %get3A_60 = vector.load %arg6[%get3A_58, %get3A_59] : memref<256x256xf32, #tpu.memory_space<vmem>>, vector<256x256xf32>
      %dot_general3A_61 = arith.constant dense<0.000000e+00> : vector<1x256xf32>
      %dot_general3A_62 = tpu.matmul %add3A_57, %get3A_60, %dot_general3A_61 {dimension_numbers = #tpu.dot_dimension_numbers<[1], [1], [0], [0], [0, 0, 1, 0], [], []>, transpose_lhs_hint = false} : vector<1x256xf32>, vector<256x256xf32>, vector<1x256xf32> -> vector<1x256xf32>
      %get3A_63 = arith.constant 0 : index
      %get3A_64 = arith.constant 0 : index
      %get3A_65 = vector.load %arg7[%get3A_63, %get3A_64] : memref<1x256xf32, #tpu.memory_space<vmem>>, vector<1x256xf32>
      %add3A_66 = arith.addf %dot_general3A_62, %get3A_65 : vector<1x256xf32>
      %max3A = arith.constant 0.000000e+00 : f32
      %max3A_67 = vector.broadcast %max3A : f32 to vector<1x256xf32>
      %max3A_68 = arith.maximumf %add3A_66, %max3A_67 : vector<1x256xf32>
      %reduce_sum3A_69 = vector.shape_cast %sub3A_48 : vector<1x256xf32> to vector<1x1x256xf32>
      %reduce_sum3A_70 = arith.constant dense<0.000000e+00> : vector<1xf32>
      %reduce_sum3A_71 = vector.multi_reduction <add>, %reduce_sum3A_69, %reduce_sum3A_70 [1, 2] : vector<1x1x256xf32> to vector<1xf32>
      %reduce_sum3A_72 = vector.shape_cast %reduce_sum3A_71 : vector<1xf32> to vector<1x1x1xf32>
      %reduce_sum3A_73 = vector.extract %reduce_sum3A_72[0, 0, 0] : f32 from vector<1x1x1xf32>
      %broadcast_in_dim3A_74 = vector.broadcast %reduce_sum3A_73 : f32 to vector<1x1xf32>
      %div3A = arith.constant 2.560000e+02 : f32
      %div3A_75 = vector.broadcast %div3A : f32 to vector<1x1xf32>
      %div3A_76 = arith.divf %broadcast_in_dim3A_74, %div3A_75 : vector<1x1xf32>
      %reduce_sum3A_77 = vector.shape_cast %logistic3A_44 : vector<1x256xf32> to vector<1x1x256xf32>
      %reduce_sum3A_78 = arith.constant dense<0.000000e+00> : vector<1xf32>
      %reduce_sum3A_79 = vector.multi_reduction <add>, %reduce_sum3A_77, %reduce_sum3A_78 [1, 2] : vector<1x1x256xf32> to vector<1xf32>
      %reduce_sum3A_80 = vector.shape_cast %reduce_sum3A_79 : vector<1xf32> to vector<1x1x1xf32>
      %reduce_sum3A_81 = vector.extract %reduce_sum3A_80[0, 0, 0] : f32 from vector<1x1x1xf32>
      %broadcast_in_dim3A_82 = vector.broadcast %reduce_sum3A_81 : f32 to vector<1x1xf32>
      %div3A_83 = arith.constant 2.560000e+02 : f32
      %div3A_84 = vector.broadcast %div3A_83 : f32 to vector<1x1xf32>
      %div3A_85 = arith.divf %broadcast_in_dim3A_82, %div3A_84 : vector<1x1xf32>
      %add3A_86 = arith.addf %div3A_76, %div3A_85 : vector<1x1xf32>
      %mul3A_87 = arith.constant 5.000000e-01 : f32
      %mul3A_88 = vector.broadcast %mul3A_87 : f32 to vector<1x1xf32>
      %mul3A_89 = arith.mulf %add3A_86, %mul3A_88 : vector<1x1xf32>
      %swap3A_90 = arith.constant 0 : index
      %swap3A_91 = arith.constant 0 : index
      %swap3A_92 = vector.load %arg10[%swap3A_90, %swap3A_91] : memref<1x1xf32, #tpu.memory_space<vmem>>, vector<1x1xf32>
      tpu.vector_store %arg10[%swap3A_90, %swap3A_91], %mul3A_89 {strides = array<i32>} : memref<1x1xf32, #tpu.memory_space<vmem>>, vector<1x1xf32>,
      %get3A_93 = arith.constant 0 : index
      %get3A_94 = arith.constant 0 : index
      %get3A_95 = vector.load %arg8[%get3A_93, %get3A_94] : memref<4096x256xf32, #tpu.memory_space<vmem>>, vector<4096x256xf32>
      %dot_general3A_96 = arith.constant dense<0.000000e+00> : vector<1x4096xf32>
      %dot_general3A_97 = tpu.matmul %max3A_68, %get3A_95, %dot_general3A_96 {dimension_numbers = #tpu.dot_dimension_numbers<[1], [1], [0], [0], [0, 0, 1, 0], [], []>, transpose_lhs_hint = false} : vector<1x256xf32>, vector<4096x256xf32>, vector<1x4096xf32> -> vector<1x4096xf32>
      %get3A_98 = arith.constant 0 : index
      %get3A_99 = arith.constant 0 : index
      %get3A_100 = vector.load %arg12[%get3A_98, %get3A_99] : memref<1x4096xf32, #tpu.memory_space<vmem>>, vector<1x4096xf32>
      %mul3A_101 = arith.constant 2.000000e+00 : f32
      %mul3A_102 = vector.broadcast %mul3A_101 : f32 to vector<1x4096xf32>
      %mul3A_103 = arith.mulf %mul3A_102, %dot_general3A_97 : vector<1x4096xf32>
      %sub3A_104 = arith.subf %get3A_100, %mul3A_103 : vector<1x4096xf32>
      %mul3A_105 = arith.mulf %max3A_68, %max3A_68 : vector<1x256xf32>
      %reduce_sum3A_106 = vector.shape_cast %mul3A_105 : vector<1x256xf32> to vector<1x1x256xf32>
      %reduce_sum3A_107 = arith.constant dense<0.000000e+00> : vector<1xf32>
      %reduce_sum3A_108 = vector.multi_reduction <add>, %reduce_sum3A_106, %reduce_sum3A_107 [1, 2] : vector<1x1x256xf32> to vector<1xf32>
      %reduce_sum3A_109 = vector.shape_cast %reduce_sum3A_108 : vector<1xf32> to vector<1x1x1xf32>
      %reduce_sum3A_110 = vector.extract %reduce_sum3A_109[0, 0, 0] : f32 from vector<1x1x1xf32>
      %add3A_111 = vector.broadcast %reduce_sum3A_110 : f32 to vector<1x4096xf32>
      %add3A_112 = arith.addf %sub3A_104, %add3A_111 : vector<1x4096xf32>
      %iota3A = tpu.iota {dimensions = array<i32: 1>} : vector<1x4096xi32>
      %shift_right_arithmetic3A = arith.constant 6 : i32
      %shift_right_arithmetic3A_113 = vector.broadcast %shift_right_arithmetic3A : i32 to vector<1x4096xi32>
      %shift_right_arithmetic3A_114 = arith.shrsi %iota3A, %shift_right_arithmetic3A_113 : vector<1x4096xi32>
      %and3A = arith.constant 63 : i32
      %and3A_115 = vector.broadcast %and3A : i32 to vector<1x4096xi32>
      %and3A_116 = arith.andi %iota3A, %and3A_115 : vector<1x4096xi32>
      %reduce_min3A = arith.constant dense<0x7F800000> : vector<1xf32>
      %reduce_min3A_117 = vector.multi_reduction <minimumf>, %add3A_112, %reduce_min3A [1] : vector<1x4096xf32> to vector<1xf32>
      %broadcast_in_dim3A_118 = vector.shape_cast %reduce_min3A_117 : vector<1xf32> to vector<1x1xf32>
      %le3A = vector.broadcast %broadcast_in_dim3A_118 : vector<1x1xf32> to vector<1x4096xf32>
      %le3A_119 = arith.cmpf ole, %add3A_112, %le3A : vector<1x4096xf32>
      %jit3A = arith.constant 4096 : i32
      %broadcast_in_dim3A_120 = vector.broadcast %jit3A : i32 to vector<1x4096xi32>
      %select_n3A = arith.select %le3A_119, %iota3A, %broadcast_in_dim3A_120 : vector<1x4096xi1>, vector<1x4096xi32>
      %reduce_min3A_121 = arith.constant dense<2147483647> : vector<1xi32>
      %reduce_min3A_122 = vector.multi_reduction <minsi>, %select_n3A, %reduce_min3A_121 [1] : vector<1x4096xi32> to vector<1xi32>
      %broadcast_in_dim3A_123 = vector.shape_cast %reduce_min3A_122 : vector<1xi32> to vector<1x1xi32>
      %shift_right_arithmetic3A_124 = arith.constant 6 : i32
      %shift_right_arithmetic3A_125 = vector.broadcast %shift_right_arithmetic3A_124 : i32 to vector<1x1xi32>
      %shift_right_arithmetic3A_126 = arith.shrsi %broadcast_in_dim3A_123, %shift_right_arithmetic3A_125 : vector<1x1xi32>
      %and3A_127 = arith.constant 63 : i32
      %and3A_128 = vector.broadcast %and3A_127 : i32 to vector<1x1xi32>
      %and3A_129 = arith.andi %broadcast_in_dim3A_123, %and3A_128 : vector<1x1xi32>
      %sub3A_130 = vector.broadcast %shift_right_arithmetic3A_126 : vector<1x1xi32> to vector<1x4096xi32>
      %sub3A_131 = arith.subi %shift_right_arithmetic3A_114, %sub3A_130 : vector<1x4096xi32>
      %sub3A_132 = vector.broadcast %shift_right_arithmetic3A_126 : vector<1x1xi32> to vector<1x4096xi32>
      %sub3A_133 = arith.subi %shift_right_arithmetic3A_114, %sub3A_132 : vector<1x4096xi32>
      %mul3A_134 = arith.muli %sub3A_131, %sub3A_133 : vector<1x4096xi32>
      %sub3A_135 = vector.broadcast %and3A_129 : vector<1x1xi32> to vector<1x4096xi32>
      %sub3A_136 = arith.subi %and3A_116, %sub3A_135 : vector<1x4096xi32>
      %sub3A_137 = vector.broadcast %and3A_129 : vector<1x1xi32> to vector<1x4096xi32>
      %sub3A_138 = arith.subi %and3A_116, %sub3A_137 : vector<1x4096xi32>
      %mul3A_139 = arith.muli %sub3A_136, %sub3A_138 : vector<1x4096xi32>
      %add3A_140 = arith.addi %mul3A_134, %mul3A_139 : vector<1x4096xi32>
      %convert_element_type3A_141 = arith.sitofp %add3A_140 : vector<1x4096xi32> to vector<1x4096xf32>
      %mul3A_142 = arith.constant -1.250000e-01 : f32
      %mul3A_143 = vector.broadcast %mul3A_142 : f32 to vector<1x4096xf32>
      %mul3A_144 = arith.mulf %convert_element_type3A_141, %mul3A_143 : vector<1x4096xf32>
      %exp3A = math.exp %mul3A_144 : vector<1x4096xf32>
      %mul3A_145 = arith.constant 5.000000e-03 : f32
      %mul3A_146 = vector.broadcast %mul3A_145 : f32 to vector<1x4096xf32>
      %mul3A_147 = arith.mulf %mul3A_146, %exp3A : vector<1x4096xf32>
      %sub3A_148 = arith.constant 1.000000e+00 : f32
      %sub3A_149 = vector.broadcast %sub3A_148 : f32 to vector<1x4096xf32>
      %sub3A_150 = arith.subf %sub3A_149, %mul3A_147 : vector<1x4096xf32>
      %mul3A_151 = arith.mulf %add3A_112, %sub3A_150 : vector<1x4096xf32>
      %mul3A_152 = arith.mulf %mul3A_151, %sub3A_150 : vector<1x4096xf32>
      %reduce_min3A_153 = arith.constant dense<0x7F800000> : vector<1xf32>
      %reduce_min3A_154 = vector.multi_reduction <minimumf>, %mul3A_152, %reduce_min3A_153 [1] : vector<1x4096xf32> to vector<1xf32>
      %broadcast_in_dim3A_155 = vector.shape_cast %reduce_min3A_154 : vector<1xf32> to vector<1x1xf32>
      %le3A_156 = vector.broadcast %broadcast_in_dim3A_155 : vector<1x1xf32> to vector<1x4096xf32>
      %le3A_157 = arith.cmpf ole, %mul3A_152, %le3A_156 : vector<1x4096xf32>
      %jit3A_158 = arith.constant 4096 : i32
      %broadcast_in_dim3A_159 = vector.broadcast %jit3A_158 : i32 to vector<1x4096xi32>
      %select_n3A_160 = arith.select %le3A_157, %iota3A, %broadcast_in_dim3A_159 : vector<1x4096xi1>, vector<1x4096xi32>
      %reduce_min3A_161 = arith.constant dense<2147483647> : vector<1xi32>
      %reduce_min3A_162 = vector.multi_reduction <minsi>, %select_n3A_160, %reduce_min3A_161 [1] : vector<1x4096xi32> to vector<1xi32>
      %broadcast_in_dim3A_163 = vector.shape_cast %reduce_min3A_162 : vector<1xi32> to vector<1x1xi32>
      %shift_right_arithmetic3A_164 = arith.constant 6 : i32
      %shift_right_arithmetic3A_165 = vector.broadcast %shift_right_arithmetic3A_164 : i32 to vector<1x1xi32>
      %shift_right_arithmetic3A_166 = arith.shrsi %broadcast_in_dim3A_163, %shift_right_arithmetic3A_165 : vector<1x1xi32>
      %and3A_167 = arith.constant 63 : i32
      %and3A_168 = vector.broadcast %and3A_167 : i32 to vector<1x1xi32>
      %and3A_169 = arith.andi %broadcast_in_dim3A_163, %and3A_168 : vector<1x1xi32>
      %sub3A_170 = vector.broadcast %shift_right_arithmetic3A_166 : vector<1x1xi32> to vector<1x4096xi32>
      %sub3A_171 = arith.subi %shift_right_arithmetic3A_114, %sub3A_170 : vector<1x4096xi32>
      %sub3A_172 = vector.broadcast %shift_right_arithmetic3A_166 : vector<1x1xi32> to vector<1x4096xi32>
      %sub3A_173 = arith.subi %shift_right_arithmetic3A_114, %sub3A_172 : vector<1x4096xi32>
      %mul3A_174 = arith.muli %sub3A_171, %sub3A_173 : vector<1x4096xi32>
      %sub3A_175 = vector.broadcast %and3A_169 : vector<1x1xi32> to vector<1x4096xi32>
      %sub3A_176 = arith.subi %and3A_116, %sub3A_175 : vector<1x4096xi32>
      %sub3A_177 = vector.broadcast %and3A_169 : vector<1x1xi32> to vector<1x4096xi32>
      %sub3A_178 = arith.subi %and3A_116, %sub3A_177 : vector<1x4096xi32>
      %mul3A_179 = arith.muli %sub3A_176, %sub3A_178 : vector<1x4096xi32>
      %add3A_180 = arith.addi %mul3A_174, %mul3A_179 : vector<1x4096xi32>
      %convert_element_type3A_181 = arith.sitofp %add3A_180 : vector<1x4096xi32> to vector<1x4096xf32>
      %mul3A_182 = arith.constant -1.250000e-01 : f32
      %mul3A_183 = vector.broadcast %mul3A_182 : f32 to vector<1x4096xf32>
      %mul3A_184 = arith.mulf %convert_element_type3A_181, %mul3A_183 : vector<1x4096xf32>
      %exp3A_185 = math.exp %mul3A_184 : vector<1x4096xf32>
      %mul3A_186 = arith.constant 5.000000e-03 : f32
      %mul3A_187 = vector.broadcast %mul3A_186 : f32 to vector<1x4096xf32>
      %mul3A_188 = arith.mulf %mul3A_187, %exp3A_185 : vector<1x4096xf32>
      %sub3A_189 = arith.constant 1.000000e+00 : f32
      %sub3A_190 = vector.broadcast %sub3A_189 : f32 to vector<1x4096xf32>
      %sub3A_191 = arith.subf %sub3A_190, %mul3A_188 : vector<1x4096xf32>
      %mul3A_192 = arith.mulf %mul3A_152, %sub3A_191 : vector<1x4096xf32>
      %mul3A_193 = arith.mulf %mul3A_192, %sub3A_191 : vector<1x4096xf32>
      %reduce_min3A_194 = arith.constant dense<0x7F800000> : vector<1xf32>
      %reduce_min3A_195 = vector.multi_reduction <minimumf>, %mul3A_193, %reduce_min3A_194 [1] : vector<1x4096xf32> to vector<1xf32>
      %broadcast_in_dim3A_196 = vector.shape_cast %reduce_min3A_195 : vector<1xf32> to vector<1x1xf32>
      %le3A_197 = vector.broadcast %broadcast_in_dim3A_196 : vector<1x1xf32> to vector<1x4096xf32>
      %le3A_198 = arith.cmpf ole, %mul3A_193, %le3A_197 : vector<1x4096xf32>
      %jit3A_199 = arith.constant 4096 : i32
      %broadcast_in_dim3A_200 = vector.broadcast %jit3A_199 : i32 to vector<1x4096xi32>
      %select_n3A_201 = arith.select %le3A_198, %iota3A, %broadcast_in_dim3A_200 : vector<1x4096xi1>, vector<1x4096xi32>
      %reduce_min3A_202 = arith.constant dense<2147483647> : vector<1xi32>
      %reduce_min3A_203 = vector.multi_reduction <minsi>, %select_n3A_201, %reduce_min3A_202 [1] : vector<1x4096xi32> to vector<1xi32>
      %broadcast_in_dim3A_204 = vector.shape_cast %reduce_min3A_203 : vector<1xi32> to vector<1x1xi32>
      %shift_right_arithmetic3A_205 = arith.constant 6 : i32
      %shift_right_arithmetic3A_206 = vector.broadcast %shift_right_arithmetic3A_205 : i32 to vector<1x1xi32>
      %shift_right_arithmetic3A_207 = arith.shrsi %broadcast_in_dim3A_204, %shift_right_arithmetic3A_206 : vector<1x1xi32>
      %and3A_208 = arith.constant 63 : i32
      %and3A_209 = vector.broadcast %and3A_208 : i32 to vector<1x1xi32>
      %and3A_210 = arith.andi %broadcast_in_dim3A_204, %and3A_209 : vector<1x1xi32>
      %sub3A_211 = vector.broadcast %shift_right_arithmetic3A_207 : vector<1x1xi32> to vector<1x4096xi32>
      %sub3A_212 = arith.subi %shift_right_arithmetic3A_114, %sub3A_211 : vector<1x4096xi32>
      %sub3A_213 = vector.broadcast %shift_right_arithmetic3A_207 : vector<1x1xi32> to vector<1x4096xi32>
      %sub3A_214 = arith.subi %shift_right_arithmetic3A_114, %sub3A_213 : vector<1x4096xi32>
      %mul3A_215 = arith.muli %sub3A_212, %sub3A_214 : vector<1x4096xi32>
      %sub3A_216 = vector.broadcast %and3A_210 : vector<1x1xi32> to vector<1x4096xi32>
      %sub3A_217 = arith.subi %and3A_116, %sub3A_216 : vector<1x4096xi32>
      %sub3A_218 = vector.broadcast %and3A_210 : vector<1x1xi32> to vector<1x4096xi32>
      %sub3A_219 = arith.subi %and3A_116, %sub3A_218 : vector<1x4096xi32>
      %mul3A_220 = arith.muli %sub3A_217, %sub3A_219 : vector<1x4096xi32>
      %add3A_221 = arith.addi %mul3A_215, %mul3A_220 : vector<1x4096xi32>
      %convert_element_type3A_222 = arith.sitofp %add3A_221 : vector<1x4096xi32> to vector<1x4096xf32>
      %mul3A_223 = arith.constant -1.250000e-01 : f32
      %mul3A_224 = vector.broadcast %mul3A_223 : f32 to vector<1x4096xf32>
      %mul3A_225 = arith.mulf %convert_element_type3A_222, %mul3A_224 : vector<1x4096xf32>
      %exp3A_226 = math.exp %mul3A_225 : vector<1x4096xf32>
      %mul3A_227 = arith.constant 5.000000e-03 : f32
      %mul3A_228 = vector.broadcast %mul3A_227 : f32 to vector<1x4096xf32>
      %mul3A_229 = arith.mulf %mul3A_228, %exp3A_226 : vector<1x4096xf32>
      %sub3A_230 = arith.constant 1.000000e+00 : f32
      %sub3A_231 = vector.broadcast %sub3A_230 : f32 to vector<1x4096xf32>
      %sub3A_232 = arith.subf %sub3A_231, %mul3A_229 : vector<1x4096xf32>
      %mul3A_233 = arith.mulf %mul3A_193, %sub3A_232 : vector<1x4096xf32>
      %mul3A_234 = arith.mulf %mul3A_233, %sub3A_232 : vector<1x4096xf32>
      %reduce_min3A_235 = arith.constant dense<0x7F800000> : vector<1xf32>
      %reduce_min3A_236 = vector.multi_reduction <minimumf>, %mul3A_234, %reduce_min3A_235 [1] : vector<1x4096xf32> to vector<1xf32>
      %broadcast_in_dim3A_237 = vector.shape_cast %reduce_min3A_236 : vector<1xf32> to vector<1x1xf32>
      %le3A_238 = vector.broadcast %broadcast_in_dim3A_237 : vector<1x1xf32> to vector<1x4096xf32>
      %le3A_239 = arith.cmpf ole, %mul3A_234, %le3A_238 : vector<1x4096xf32>
      %jit3A_240 = arith.constant 4096 : i32
      %broadcast_in_dim3A_241 = vector.broadcast %jit3A_240 : i32 to vector<1x4096xi32>
      %select_n3A_242 = arith.select %le3A_239, %iota3A, %broadcast_in_dim3A_241 : vector<1x4096xi1>, vector<1x4096xi32>
      %reduce_min3A_243 = arith.constant dense<2147483647> : vector<1xi32>
      %reduce_min3A_244 = vector.multi_reduction <minsi>, %select_n3A_242, %reduce_min3A_243 [1] : vector<1x4096xi32> to vector<1xi32>
      %broadcast_in_dim3A_245 = vector.shape_cast %reduce_min3A_244 : vector<1xi32> to vector<1x1xi32>
      %shift_right_arithmetic3A_246 = arith.constant 6 : i32
      %shift_right_arithmetic3A_247 = vector.broadcast %shift_right_arithmetic3A_246 : i32 to vector<1x1xi32>
      %shift_right_arithmetic3A_248 = arith.shrsi %broadcast_in_dim3A_245, %shift_right_arithmetic3A_247 : vector<1x1xi32>
      %and3A_249 = arith.constant 63 : i32
      %and3A_250 = vector.broadcast %and3A_249 : i32 to vector<1x1xi32>
      %and3A_251 = arith.andi %broadcast_in_dim3A_245, %and3A_250 : vector<1x1xi32>
      %sub3A_252 = vector.broadcast %shift_right_arithmetic3A_248 : vector<1x1xi32> to vector<1x4096xi32>
      %sub3A_253 = arith.subi %shift_right_arithmetic3A_114, %sub3A_252 : vector<1x4096xi32>
      %sub3A_254 = vector.broadcast %shift_right_arithmetic3A_248 : vector<1x1xi32> to vector<1x4096xi32>
      %sub3A_255 = arith.subi %shift_right_arithmetic3A_114, %sub3A_254 : vector<1x4096xi32>
      %mul3A_256 = arith.muli %sub3A_253, %sub3A_255 : vector<1x4096xi32>
      %sub3A_257 = vector.broadcast %and3A_251 : vector<1x1xi32> to vector<1x4096xi32>
      %sub3A_258 = arith.subi %and3A_116, %sub3A_257 : vector<1x4096xi32>
      %sub3A_259 = vector.broadcast %and3A_251 : vector<1x1xi32> to vector<1x4096xi32>
      %sub3A_260 = arith.subi %and3A_116, %sub3A_259 : vector<1x4096xi32>
      %mul3A_261 = arith.muli %sub3A_258, %sub3A_260 : vector<1x4096xi32>
      %add3A_262 = arith.addi %mul3A_256, %mul3A_261 : vector<1x4096xi32>
      %convert_element_type3A_263 = arith.sitofp %add3A_262 : vector<1x4096xi32> to vector<1x4096xf32>
      %mul3A_264 = arith.constant -1.250000e-01 : f32
      %mul3A_265 = vector.broadcast %mul3A_264 : f32 to vector<1x4096xf32>
      %mul3A_266 = arith.mulf %convert_element_type3A_263, %mul3A_265 : vector<1x4096xf32>
      %exp3A_267 = math.exp %mul3A_266 : vector<1x4096xf32>
      %swap3A_268 = arith.constant 0 : index
      %swap3A_269 = arith.constant 0 : index
      %swap3A_270 = vector.load %arg9[%swap3A_268, %swap3A_269] : memref<1x4096xf32, #tpu.memory_space<vmem>>, vector<1x4096xf32>
      tpu.vector_store %arg9[%swap3A_268, %swap3A_269], %exp3A_267 {strides = array<i32>} : memref<1x4096xf32, #tpu.memory_space<vmem>>, vector<1x4096xf32>,
    } else {
    }
    return
  }
  func.func @transform_0(%arg0: i32) -> (i32, i32) {
    %c0_i32 = arith.constant 0 : i32
    %c0_i32_0 = arith.constant 0 : i32
    return %c0_i32, %arg0 : i32, i32
  }
  func.func @transform_1(%arg0: i32) -> (i32, i32) {
    %c0_i32 = arith.constant 0 : i32
    %c0_i32_0 = arith.constant 0 : i32
    return %c0_i32, %arg0 : i32, i32
  }
  func.func @transform_2(%arg0: i32) -> (i32, i32) {
    %c0_i32 = arith.constant 0 : i32
    %c0_i32_0 = arith.constant 0 : i32
    %c0_i32_1 = arith.constant 0 : i32
    return %c0_i32, %c0_i32_0 : i32, i32
  }
  func.func @transform_3(%arg0: i32) -> (i32, i32) {
    %c0_i32 = arith.constant 0 : i32
    %c0_i32_0 = arith.constant 0 : i32
    %c0_i32_1 = arith.constant 0 : i32
    return %c0_i32, %c0_i32_0 : i32, i32
  }
  func.func @transform_4(%arg0: i32) -> (i32, i32) {
    %c0_i32 = arith.constant 0 : i32
    %c0_i32_0 = arith.constant 0 : i32
    %c0_i32_1 = arith.constant 0 : i32
    return %c0_i32, %c0_i32_0 : i32, i32
  }
  func.func @transform_5(%arg0: i32) -> (i32, i32) {
    %c0_i32 = arith.constant 0 : i32
    %c0_i32_0 = arith.constant 0 : i32
    %c0_i32_1 = arith.constant 0 : i32
    return %c0_i32, %c0_i32_0 : i32, i32
  }
  func.func @transform_6(%arg0: i32) -> (i32, i32) {
    %c0_i32 = arith.constant 0 : i32
    %c0_i32_0 = arith.constant 0 : i32
    %c0_i32_1 = arith.constant 0 : i32
    return %c0_i32, %c0_i32_0 : i32, i32
  }
  func.func @transform_7(%arg0: i32) -> (i32, i32) {
    %c0_i32 = arith.constant 0 : i32
    %c0_i32_0 = arith.constant 0 : i32
    %c0_i32_1 = arith.constant 0 : i32
    return %c0_i32, %c0_i32_0 : i32, i32
  }
  func.func @transform_8(%arg0: i32) -> (i32, i32) {
    %c0_i32 = arith.constant 0 : i32
    %c0_i32_0 = arith.constant 0 : i32
    %c0_i32_1 = arith.constant 0 : i32
    return %c0_i32, %c0_i32_0 : i32, i32
  }
  func.func @transform_9(%arg0: i32) -> (i32, i32) {
    %c0_i32 = arith.constant 0 : i32
    %c0_i32_0 = arith.constant 0 : i32
    %c0_i32_1 = arith.constant 0 : i32
    return %c0_i32, %c0_i32_0 : i32, i32
  }
}

</mosaic_0001>

<sc_bundles>
// kernel: kernel.4.cloned.1.call-start
scs
__scs_entry_jumppad:
0x0: {  	(pc) =	sbr.rel $0x88, $3  }
0x1: {  	(tag) =	ssettag $0x0;
	lr =	simm.s32 $0x1  }
0x2: {  	[smem:$0x3F99] =	sst lr;
	_ =	strace $0xD0000000  }
0x3: {  	_ = 	snop  }
0x4: {  	_ = 	snop  }
0x5: {  	_ = 	snop  }
0x6: {  	_ = 	snop  }
0x7: {  	_ = 	snop  }
__scs_overlays_trampoline_lowered:
0x8: {  	[smem:$0x3FA8] =	sst s0  }
0x9: {  	[smem:$0x3FA9] =	sst s1  }
0xa: {  	[smem:$0x3FAA] =	sst s2  }
0xb: {  	[smem:$0x3FAB] =	sst s3  }
0xc: {  	[smem:$0x3FAC] =	sst s4  }
0xd: {  	[smem:$0x3FAD] =	sst s5  }
0xe: {  	[smem:$0x3FAE] =	sst s6  }
0xf: {  	[smem:$0x3FAF] =	sst s7  }
0x10: {  	[smem:$0x3FB0] =	sst s8  }
0x11: {  	[smem:$0x3FB1] =	sst s9;
	s0 =	simm.s32 @!p0 $0x0  }
0x12: {  	s1 =	sld [smem:$0x3F97];
	s0 =	simm.s32 @p0 $0x1  }
0x13: {  	[smem:$0x3FB2] =	sst s0;
	s0 =	simm.s32 @!p1 $0x0  }
0x14: {  	s2 =	sld [smem:$0x3F96];
	s0 =	simm.s32 @p1 $0x1  }
0x15: {  	[smem:$0x3FB3] =	sst s0;
	s0 =	simm.s32 @!p2 $0x0  }
0x16: {  	s3 =	sld [smem:$0x3FDB];
	s0 =	simm.s32 @p2 $0x1  }
0x17: {  	s4 =	simm.s32 $0x1BF5;
	[smem:$0x3FB5] =	sst s0  }
0x18: {  	s0 =	sld [smem:$0x3F98];
	_ =	swait.ge [sflag:s4], $0x0  }
0x19: {  	s7 =	sld [smem:$0x3F99]  }
0x1a: {  	s8 =	sadd.s32 $0xFFFFE003, lr  }
0x1b: {  	s9 =	sadd.s32 $0xFFFFFEF7, lr;
	s5 =	simm.s32 $0xFFFFFFFF;
	p2 =	slt.u32 s8, $0xFFFFF086  }
0x1c: {  	p1 =	slt.u32 s9, $0xF7A;
	s5 =	simm.s32 @!p2 $0x0  }
0x1d: {  	s5 =	simm.s32 @p1 $0x1;
	p0 =	seq.s32 s7, s2  }
0x1e: {  	s7 =	smul.u32 @!p0 $0xF7A, s2;
	p2 =	seq.s32 @!p0 s5, $0x0  }
0x1f: {  	s9 =	smul.u32 $0xF7A, s1;
	s8 =	simm.s32 @!p0 $0x1BF5;
	p2 =	por !p2, p0  }
0x20: {  	[sflag:s8] =	ssyncset.s32 @!p0 $0xFFFFF086;
	s6 =	sadd.s32 @!p0 s3, s7;
	s7 =	simm.s32 @!p0 $0x108  }
0x21: {  	s3 =	sadd.s32 s3, s9;
	s6 =	sadd.s32 @!p0 $0x88, s6;
	s7 =	simm.s32 @p2 $0x1082  }
0x22: {  	[simem:s7], [sflag:s8] =	dma.local @!p0 [hbm:s6], $0xF7A  }
0x23: {  	s9 =	sor.u32 $0xD0000000, s2;
	s6 =	simm.s32 $0x108;
	_ =	swait.ge @!p0 [sflag:s8], $0x0  }
0x24: {  	s3 =	sadd.s32 $0x88, s3;
	s6 =	simm.s32 @!p1 $0x1082;
	[sflag:s4] =	ssyncset.s32 $0xFFFFF086  }
0x25: {  	[simem:s6], [sflag:s4] =	dma.local [hbm:s3], $0xF7A  }
0x26: {  	[smem:$0x3F99] =	sst s1;
	(tag) =	ssettag s2;
	_ =	strace s9  }
0x27: {  	s1 =	sld [smem:$0x3FA9]  }
0x28: {  	s2 =	sld [smem:$0x3FAA]  }
0x29: {  	s4 =	sld [smem:$0x3FAC]  }
0x2a: {  	p0 =	seq.s32 s5, $0x0;
	s5 =	sld [smem:$0x3FAD]  }
0x2b: {  	s6 =	sld [smem:$0x3FAE]  }
0x2c: {  	s7 =	sld [smem:$0x3FAF]  }
0x2d: {  	s3 =	simm.s32 $0x108;
	s8 =	sld [smem:$0x3FB0]  }
0x2e: {  	s3 =	simm.s32 @!p0 $0x1082;
	s9 =	sld [smem:$0x3FB1]  }
0x2f: {  	lr =	sadd.s32 s0, s3;
	s0 =	sld [smem:$0x3FA8]  }
0x30: {  	s3 =	sld [smem:$0x3FAB]  }
0x31: {  	[smem:$0x3FB4] =	sst s10  }
0x32: {  	s10 =	sld [smem:$0x3FB2];
	_ =	sdelay $0x3  }
0x33: {  	p0 =	seq.s32 s10, $0x1;
	s10 =	sld [smem:$0x3FB4];
	_ =	sdelay $0x3  }
0x34: {  	[smem:$0x3FB4] =	sst s10  }
0x35: {  	s10 =	sld [smem:$0x3FB3];
	_ =	sdelay $0x3  }
0x36: {  	p1 =	seq.s32 s10, $0x1;
	s10 =	sld [smem:$0x3FB4];
	_ =	sdelay $0x3  }
0x37: {  	[smem:$0x3FB4] =	sst s10  }
0x38: {  	s10 =	sld [smem:$0x3FB5]  }
0x39: {  	_ = 	snop;
	(pc) =	sbr.ind lr, $3  }
0x3a: {  	_ = 	snop  }
0x3b: {  	_ = 	snop  }
0x3c: {  	p2 =	seq.s32 s10, $0x1;
	s10 =	sld [smem:$0x3FB4]  }
0x3d: {  	_ =	shalt  }
0x3e: {  	_ =	shalt  }
0x3f: {  	_ =	shalt  }
0x40: {  	_ =	shalt  }
0x41: {  	_ =	shalt  }
0x42: {  	_ =	shalt  }
0x43: {  	_ =	shalt  }
0x44: {  	_ =	shalt  }
0x45: {  	_ =	shalt  }
0x46: {  	_ =	shalt  }
0x47: {  	_ =	shalt  }
0x48: {  	_ =	shalt  }
0x49: {  	_ =	shalt  }
0x4a: {  	_ =	shalt  }
0x4b: {  	_ =	shalt  }
0x4c: {  	_ =	shalt  }
0x4d: {  	_ =	shalt  }
0x4e: {  	_ =	shalt  }
0x4f: {  	_ =	shalt  }
0x50: {  	_ =	shalt  }
0x51: {  	_ =	shalt  }
0x52: {  	_ =	shalt  }
0x53: {  	_ =	shalt  }
0x54: {  	_ =	shalt  }
0x55: {  	_ =	shalt  }
0x56: {  	_ =	shalt  }
0x57: {  	_ =	shalt  }
0x58: {  	_ =	shalt  }
0x59: {  	_ =	shalt  }
0x5a: {  	_ =	shalt  }
0x5b: {  	_ =	shalt  }
0x5c: {  	_ =	shalt  }
0x5d: {  	_ =	shalt  }
0x5e: {  	_ =	shalt  }
0x5f: {  	_ =	shalt  }
0x60: {  	_ =	shalt  }
0x61: {  	_ =	shalt  }
0x62: {  	_ =	shalt  }
0x63: {  	_ =	shalt  }
0x64: {  	_ =	shalt  }
0x65: {  	_ =	shalt  }
0x66: {  	_ =	shalt  }
0x67: {  	_ =	shalt  }
0x68: {  	_ =	shalt  }
0x69: {  	_ =	shalt  }
0x6a: {  	_ =	shalt  }
0x6b: {  	_ =	shalt  }
0x6c: {  	_ =	shalt  }
0x6d: {  	_ =	shalt  }
0x6e: {  	_ =	shalt  }
0x6f: {  	_ =	shalt  }
0x70: {  	_ =	shalt  }
0x71: {  	_ =	shalt  }
0x72: {  	_ =	shalt  }
0x73: {  	_ =	shalt  }
0x74: {  	_ =	shalt  }
0x75: {  	_ =	shalt  }
0x76: {  	_ =	shalt  }
0x77: {  	_ =	shalt  }
0x78: {  	_ =	shalt  }
0x79: {  	_ =	shalt  }
0x7a: {  	_ =	shalt  }
0x7b: {  	_ =	shalt  }
0x7c: {  	_ =	shalt  }
0x7d: {  	_ =	shalt  }
0x7e: {  	_ =	shalt  }
0x7f: {  	_ =	shalt  }
0x80: {  	_ =	shalt  }
0x81: {  	_ =	shalt  }
0x82: {  	_ =	shalt  }
0x83: {  	_ =	shalt  }
0x84: {  	_ =	shalt  }
0x85: {  	_ =	shalt  }
0x86: {  	_ =	shalt  }
0x87: {  	_ =	shalt  }
.Lfunc_end0:
.L_simem_size_0:
called_computation_lowered:
.L_overlay_start_0:
0x88: {  	s0 =	sld [smem:$0x3FD9]  }
0x89: {  	s1 =	sld [smem:$0x3FFE];
	_ =	sdelay $0x3  }
0x8a: {  	s0 =	sadd.s32 s1, s0  }
0x8b: {  	[smem:$0x3FC0] =	sst s0  }
0x8c: {  	_ = 	snop  }
0x8d: {  	s0 =	sld [smem:$0x3FD0];
	_ =	sdelay $0x2  }
0x8e: {  	s13 =	simm.s32 $0xA;
	s2 =	simm.s32 $0x10  }
0x8f: {  	[smem:s2], [sflag:s13] =	dma.local [hbm:s0], $0x1  }
0x90: {  	_ =	swait.eq [sflag:s13], $0x1  }
0x91: {  	[sflag:s13] =	ssyncset.done $0x0  }
0x92: {  	[sflag:s13] =	ssyncadd.s32 $0xFFFFFFFF  }
0x93: {  	s14 =	sld [smem:$0x10];
	(tm) =	ssettm $0x1  }
0x94: {  	s15 =	sld [smem:$0x3FFB];
	_ =	sdelay $0x3  }
0x95: {  	_ =	strace s15  }
0x96: {  	s1 =	sld [smem:$0x3FFC];
	_ =	sdelay $0x3  }
0x97: {  	_ =	strace s1  }
0x98: {  	s1 =	sld [smem:$0x3FFD];
	_ =	sdelay $0x3  }
0x99: {  	_ =	strace s1  }
0x9a: {  	_ =	strace $0x8FFFFFFF  }
0x9b: {  	s16 =	sld [smem:$0x3FDB];
	_ =	sdelay $0x1  }
0x9c: {  	s17 =	simm.s32 $_scs_section_size  }
0x9d: {  	s3 =	simm.s32 $_size__tile_overlayer_lowered;
	s4 =	simm.s32 $_tile_overlayer_lowered  }
0x9e: {  	s20 =	simm.s32 $0x1BFF;
	s19 =	sshll.u32 s4, $0x1;
	s1 =	sadd.s32 s17, s16  }
0x9f: {  	s5 =	simm.s32 $0x0;
	s18 =	sshll.u32 s3, $0x1;
	s3 =	sadd.s32 s19, s1  }
0xa0: {  	[timem:s5], [sflag:s20] =	dma.local [hbm:s3], s18  }
0xa1: {  	_ =	swait.ge [sflag:s20], s18  }
0xa2: {  	s2 =	ssub.s32 $0x0, s18;
	[sflag:s20] =	ssyncset.done $0x0  }
0xa3: {  	[sflag:s20] =	ssyncadd.s32 s2;
	_ =	sdelay $0x1  }
0xa4: {  	s21 =	simm.s32 $0x1B8B  }
0xa5: {  	_ =	swait.ge [sflag:s21], $0x1  }
0xa6: {  	[sflag:s21] =	ssyncset.done $0x0  }
0xa7: {  	s23 =	simm.s32 $0x1B8E;
	s22 =	sld [smem:$0x3FFE];
	[sflag:s21] =	ssyncadd.s32 $0xFFFFFFFF  }
0xa8: {  	s24 =	simm.s32 $execute0_lowered;
	[smem:$0x3FD2] =	sst s23  }
0xa9: {  	s3 =	sshll.u32 s24, $0x1;
	_ =	strace $0x80000046;
	[dreg:$0x1] =	wrdreg $0xFFFFFFFF  }
0xaa: {  	s25 =	simm.s32 $_size_execute0_lowered;
	s1 =	sadd.s32 s1, s3;
	[dreg:$0x0] =	wrdreg $0x0  }
0xab: {  	s3 =	sshll.u32 s25, $0x1;
	[dreg:$0x2] =	wrdreg s1  }
0xac: {  	[dreg:$0x3] =	wrdreg s3  }
0xad: {  	[dreg:$0x4] =	wrdreg $0xC0  }
0xae: {  	_ =	task [dreg:s5], $0x5FFFF  }
0xaf: {  	[dreg:$0x1] =	wrdreg $0xFFFFFFFF  }
0xb0: {  	[dreg:$0x0] =	wrdreg $0x60  }
0xb1: {  	[dreg:$0x2] =	wrdreg s14  }
0xb2: {  	[dreg:$0x3] =	wrdreg s22  }
0xb3: {  	[dreg:$0x4] =	wrdreg $0x9  }
0xb4: {  	_ =	task.clear_ibuf [dreg:s5], $0x5FFFF;
	_ =	strace $0x90000046  }
0xb5: {  	s26 =	simm.s32 $0x9;
	_ =	strace $0x80000048  }
0xb6: {  	_ =	swait.ge [sflag:s26], $0x1  }
0xb7: {  	[sflag:s26] =	ssyncadd.s32 $0xFFFFFFFF  }
0xb8: {  	_ =	strace $0x90000048  }
0xb9: {  	_ =	sfence  }
0xba: {  	s28 =	sld [smem:$0x0];
	_ =	sdelay $0x1  }
0xbb: {  	s29 =	srdreg.scid  }
0xbc: {  	s30 =	sshll.u32 s29, $0xD;
	s31 =	sshrl.u32 s29, $0x2  }
0xbd: {  	s2 =	sand.u32 $0x4000, s30;
	s1 =	sand.u32 $0x1, s29;
	s0 =	sadd.s32 s31, s28  }
0xbe: {  	s1 =	sor.u32 s2, s1;
	s0 =	sshll.u32 s0, $0x11  }
0xbf: {  	s0 =	sor.u32 s0, s1  }
0xc0: {  	s0 =	sadd.s32 $0x8F2B, s0  }
0xc1: {  	[sflag:s0] =	ssyncadd.remote.s32 $0x1  }
0xc2: {  	_ =	sfence.sel $0xFFFF  }
0xc3: {  	[dreg:$0x0] =	wrdreg $0xFFFFFFFF;
	(pc) =	sbr.abs _section_cstart, $3  }
0xc4: {  	[dreg:$0x1] =	wrdreg $0xFFFFFFFF  }
0xc5: {  	_ =	task.clear_ibuf [dreg:s5], $0x2FFFF;
	_ =	strace $0x9FFFFFFF  }
0xc6: {  	(tm) =	ssettm $0x7FFFFFFF  }
0xc7: {  	_ =	shalt  }
tec
execute0_lowered:
.L_overlay_start_1:
0x0: {  	(tag) =	ssettag $0x1  }
0x1: {  	s0 =	rddreg [dreg:$0x0]  }
0x2: {  	s1 =	rddreg [dreg:$0x1]  }
0x3: {  	s2 =	rddreg [dreg:$0x2];
	s3 =	simm.s32 $0x0;
	s4 =	stileid.u32  }
0x4: {  	[smem:$0x7FF] =	sst s3;
	s5 =	sshll.u32 s4, $0x5  }
0x5: {  	s31 =	simm.s32 $0x1;
	_ =	strace $0x80000047;
	s0 =	sadd.s32 s0, s5  }
0x6: {  	[tilespmem:s3], [sflag:$0x1] =	stream.linear.gather [hbm4b:s0+s3], $0x100, $0x38;
	[tilespmem:$0x100] =	vst v63  }
0x7: {  	_ =	swait.ge [sflag:s31], $0x100  }
0x8: {  	s1 =	sadd.s32 s5, s1;
	[sflag:s31] =	ssyncset.done $0x0  }
0x9: {  	s1 =	sadd.s32 $0x1400, s1;
	[sflag:s31] =	ssyncadd.s32 $0xFFFFFF00  }
0xa: {  	[hbm4b:s1+s3] =	stream.linear.scatter [tilespmem:s3], [sflag:$0x1], $0x100, $0x38;
	[tilespmem:$0x100] =	vst v63  }
0xb: {  	_ =	swait.ge [sflag:s31], $0x100  }
0xc: {  	[sflag:s31] =	ssyncset.done $0x0  }
0xd: {  	[sflag:s31] =	ssyncadd.s32 $0xFFFFFF00  }
0xe: {  	_ =	sfence.sel $0x180000  }
0xf: {  	[bflag:$0x0] =	sbarrier.arrive $0xFFFF  }
0x10: {  	p0 =	sne.s32 s4, $0x0;
	_ =	strace $0x90000047  }
0x11: {  	s0 =	sadd.s32 @!p0 $0x100000, s2;
	[bflag:$0x2] =	sbarrier.arrive $0xFFFF  }
0x12: {  	[sflag:s0] =	ssyncadd.tile.s32 @!p0 $0x1;
	_ =	shalt  }
.Lfunc_end2:
_tile_overlayer_lowered:
.L_overlay_start_2:
0x13: {  	(tag) =	ssettag $0x2  }
0x14: {  	s0 =	rddreg [dreg:$0x0];
	s2 =	stileid.u32  }
0x15: {  	s1 =	rddreg [dreg:$0x1];
	p0 =	sne.s32 s2, $0x0  }
0x16: {  	s3 =	rddreg [dreg:$0x2];
	[bflag:$0x3] =	sbarrier.arrive $0xFFFF;
	s2 =	simm.s32 @!p0 $0x1C01  }
0x17: {  	[timem:s3], [sflag:s2] =	dma.local @!p0 [hbm:s0], s1  }
0x18: {  	s0 =	simm.s32 @!p0 $0x1  }
0x19: {  	_ =	swait.ge @!p0 [sflag:s0], s1  }
0x1a: {  	s1 =	ssub.s32 @!p0 $0x0, s1;
	[sflag:s0] =	ssyncset.done @!p0 $0x0  }
0x1b: {  	[sflag:s0] =	ssyncadd.s32 @!p0 s1  }
0x1c: {  	[bflag:$0x3] =	sbarrier.arrive $0xFFFF  }
0x1d: {  	_ =	shalt  }

</sc_bundles>
